<compile_context>
chip_gen: v7x
topology: tpu7x:2x2x1
jax: 0.10.2.dev20260603
libtpu: 0.0.44.dev20260713+nightly
codegen_flags: <defaults>
</compile_context>

<pallas_src>
import functools

import jax
import jax.numpy as jnp
from jax import lax
from jax.experimental import pallas as pl
from jax.experimental.pallas import tpu as pltpu
from jax.experimental.pallas import tpu_sc as plsc

_NC = 2
_NS = 16
_LANES = 16


def _sc_build_tables(peX, peY):
    sqn, dh = peX.shape
    D = 2 * dh
    nw = _NC * _NS
    rows_per_w = (2 * sqn) // nw
    mesh = plsc.VectorSubcoreMesh(
        core_axis_name="c", subcore_axis_name="s",
        num_cores=_NC, num_subcores=_NS,
    )

    @functools.partial(
        pl.kernel,
        out_type=[
            jax.ShapeDtypeStruct((sqn, D), jnp.float32),
            jax.ShapeDtypeStruct((sqn, D), jnp.float32),
        ],
        mesh=mesh,
        scratch_types=(
            [pltpu.VMEM((dh,), jnp.float32) for _ in range(rows_per_w)]
            + [pltpu.VMEM((D,), jnp.float32) for _ in range(rows_per_w)]
            + [pltpu.SemaphoreType.DMA, pltpu.SemaphoreType.DMA]
        ),
        compiler_params=pltpu.CompilerParams(needs_layout_passes=False),
    )
    def build(peX_hbm, peY_hbm, peXi_hbm, peYi_hbm, *scratch):
        srcs = scratch[:rows_per_w]
        rows = scratch[rows_per_w:2 * rows_per_w]
        s_in, s_out = scratch[2 * rows_per_w:]
        wid = lax.axis_index("s") * _NC + lax.axis_index("c")
        zero = jnp.zeros((_LANES,), jnp.float32)
        lane = lax.iota(jnp.int32, _LANES)
        parity = lane % 2
        half = rows_per_w // 2
        tabs = ((peX_hbm, peXi_hbm, 0), (peY_hbm, peYi_hbm, 1))
        hin = []
        for t, (src_hbm, dst_hbm, off) in enumerate(tabs):
            for j in range(half):
                r = wid * half + j
                hin.append(pltpu.async_copy(
                    src_hbm.at[r], srcs[t * half + j], s_in))
        for h in hin:
            h.wait()
        hout = []
        for t, (src_hbm, dst_hbm, off) in enumerate(tabs):
            for j in range(half):
                r = wid * half + j
                src_v = srcs[t * half + j]
                row_v = rows[t * half + j]

                def chunk(k, carry, src_v=src_v, row_v=row_v, off=off):
                    idx = (k * _LANES + lane) // 2
                    v = plsc.load_gather(src_v, [idx])
                    v = jnp.where(parity == off, v, zero)
                    row_v[pl.ds(k * _LANES, _LANES)] = v
                    return carry

                lax.fori_loop(0, D // _LANES, chunk, 0)
                hout.append(pltpu.async_copy(row_v, dst_hbm.at[r], s_out))
        for h in hout:
            h.wait()

    return build(peX, peY)


def _add_body(x_ref, pex_ref, pey_ref, o_ref):
    o_ref[...] = (
        x_ref[...]
        + pex_ref[0][None, None, :, :]
        + pey_ref[...][None, None, :, :]
    )


def kernel(x, peX, peY):
    B, N, D = x.shape
    sqn = peX.shape[0]
    peXi, peYi = _sc_build_tables(peX, peY)
    xr = x.reshape(B, sqn, sqn, D)
    out = pl.pallas_call(
        _add_body,
        grid=(sqn,),
        in_specs=[
            pl.BlockSpec((B, 1, sqn, D), lambda g: (0, g, 0, 0)),
            pl.BlockSpec((1, 1, D), lambda g: (g, 0, 0)),
            pl.BlockSpec((sqn, D), lambda g: (0, 0)),
        ],
        out_specs=pl.BlockSpec((B, 1, sqn, D), lambda g: (0, g, 0, 0)),
        out_shape=jax.ShapeDtypeStruct((B, sqn, sqn, D), x.dtype),
    )(xr, peXi.reshape(sqn, 1, D), peYi)
    return out.reshape(B, N, D)

# --- scband reference (transcript-rebuilt; emitter-appended) ---
"""Pipeline reference for scband-pos-embed2-d-21809843929808 (READ-ONLY COPY).

The authoritative reference and input builder live on the scoring server;
editing this copy changes nothing except your own understanding.
"""

import jax, jax.numpy as jnp
import numpy as np


def setup_inputs(seed: int = 0) -> dict:
    key = jax.random.key(seed)
    k1, k2, k3 = jax.random.split(key, 3)
    x = jax.random.normal(k1, (4, 4096, 1024), dtype=jnp.float32)
    # parameters sized per init_kwargs: d_model=1024, max_len=4096 -> sqn=64, d_model//2=512
    peX = jax.random.normal(k2, (64, 512), dtype=jnp.float32)
    peY = jax.random.normal(k3, (64, 512), dtype=jnp.float32)
    return {"x": x, "peX": peX, "peY": peY}


def reference(x, peX, peY):
    sqn = int(np.sqrt(x.shape[1]))
    position = np.indices((sqn, sqn)).reshape((2, sqn * sqn))
    pos0 = jnp.asarray(position[0], dtype=jnp.int32)
    pos1 = jnp.asarray(position[1], dtype=jnp.int32)
    # gather positional rows and add to even/odd feature channels (in-place in torch, functional here)
    x = x.at[:, :, 0::2].add(jnp.take(peX, pos0, axis=0)[None, :, :])
    x = x.at[:, :, 1::2].add(jnp.take(peY, pos1, axis=0)[None, :, :])
    return x

if __name__ == "__main__":
    import jax
    _d = setup_inputs()
    print(jax.jit(kernel)(*tuple(_d.values())))

</pallas_src>

<mosaic_0001>
#map = affine_map<(d0, d1) -> (0, 0)>
module attributes {stable_mosaic.version = 14 : i64} {
  func.func @build(%arg0: i32, %arg1: i32, %arg2: memref<64x512xf32, #tpu.memory_space<hbm>>, %arg3: memref<64x512xf32, #tpu.memory_space<hbm>>, %arg4: memref<64x1024xf32, #tpu.memory_space<hbm>>, %arg5: memref<64x1024xf32, #tpu.memory_space<hbm>>, %arg6: memref<512xf32, #tpu.memory_space<vmem>>, %arg7: memref<512xf32, #tpu.memory_space<vmem>>, %arg8: memref<512xf32, #tpu.memory_space<vmem>>, %arg9: memref<512xf32, #tpu.memory_space<vmem>>, %arg10: memref<1024xf32, #tpu.memory_space<vmem>>, %arg11: memref<1024xf32, #tpu.memory_space<vmem>>, %arg12: memref<1024xf32, #tpu.memory_space<vmem>>, %arg13: memref<1024xf32, #tpu.memory_space<vmem>>, %arg14: memref<!tpu.dma_semaphore, #tpu.memory_space<semaphore_mem>>, %arg15: memref<!tpu.dma_semaphore, #tpu.memory_space<semaphore_mem>>) attributes {dimension_semantics = [#tpu.dimension_semantics<core_parallel>, #tpu.dimension_semantics<subcore_parallel>], iteration_bounds = array<i64: 2, 16>, scalar_prefetch = 0 : i64, scratch_operands = 10 : i64, tpu.core_type = #tpu.core_type<sc_vector_subcore>, window_params = [{transform_indices = #map}, {transform_indices = #map}, {transform_indices = #map}, {transform_indices = #map}]} {
    %mul3A = arith.constant 2 : i32
    %mul3A_0 = arith.muli %arg1, %mul3A : i32
    %add3A = arith.addi %mul3A_0, %arg0 : i32
    %broadcast_in_dim3A = arith.constant 0.000000e+00 : f32
    %broadcast_in_dim3A_1 = vector.broadcast %broadcast_in_dim3A : f32 to vector<16xf32>
    %iota3A = tpu.iota {dimensions = array<i32: 0>} : vector<16xi32>
    %jit3A = arith.constant 2 : i32
    %eq3A = arith.constant 0 : i32
    %eq3A_2 = arith.cmpi eq, %jit3A, %eq3A : i32
    %jit3A_3 = arith.constant 1 : i32
    %select_n3A = arith.select %eq3A_2, %jit3A_3, %jit3A : i32
    %rem3A = vector.broadcast %select_n3A : i32 to vector<16xi32>
    %rem3A_4 = arith.remsi %iota3A, %rem3A : vector<16xi32>
    %ne3A = arith.constant 0 : i32
    %ne3A_5 = vector.broadcast %ne3A : i32 to vector<16xi32>
    %ne3A_6 = arith.cmpi ne, %rem3A_4, %ne3A_5 : vector<16xi32>
    %lt3A = arith.constant 0 : i32
    %lt3A_7 = vector.broadcast %lt3A : i32 to vector<16xi32>
    %lt3A_8 = arith.cmpi slt, %rem3A_4, %lt3A_7 : vector<16xi32>
    %lt3A_9 = arith.constant 0 : i32
    %lt3A_10 = arith.cmpi slt, %select_n3A, %lt3A_9 : i32
    %ne3A_11 = vector.broadcast %lt3A_10 : i1 to vector<16xi1>
    %ne3A_12 = vector.broadcast %ne3A_11 : vector<16xi1> to vector<16xi1>
    %ne3A_13 = arith.xori %lt3A_8, %ne3A_12 : vector<16xi1>
    %and3A = arith.andi %ne3A_13, %ne3A_6 : vector<16xi1>
    %add3A_14 = vector.broadcast %select_n3A : i32 to vector<16xi32>
    %add3A_15 = arith.addi %rem3A_4, %add3A_14 : vector<16xi32>
    %select_n3A_16 = arith.select %and3A, %add3A_15, %rem3A_4 : vector<16xi1>, vector<16xi32>
    %mul3A_17 = arith.constant 2 : i32
    %mul3A_18 = arith.muli %add3A, %mul3A_17 : i32
    %add3A_19 = arith.constant 0 : i32
    %add3A_20 = arith.addi %mul3A_18, %add3A_19 : i32
    %dma_start3A = arith.constant 0 : i32
    %dma_start3A_21 = tpu.memref_slice %arg2[%add3A_20, %dma_start3A] : memref<64x512xf32, #tpu.memory_space<hbm>> -> memref<1x512xf32, #tpu.memory_space<hbm>>
    %dma_start3A_22 = tpu.memref_squeeze %dma_start3A_21 : memref<1x512xf32, #tpu.memory_space<hbm>> -> memref<512xf32, #tpu.memory_space<hbm>>
    %dma_start3A_23 = arith.constant 0 : i32
    %dma_start3A_24 = tpu.memref_slice %arg2[%add3A_20, %dma_start3A_23] : memref<64x512xf32, #tpu.memory_space<hbm>> -> memref<1x512xf32, #tpu.memory_space<hbm>>
    %dma_start3A_25 = tpu.memref_squeeze %dma_start3A_24 : memref<1x512xf32, #tpu.memory_space<hbm>> -> memref<512xf32, #tpu.memory_space<hbm>>
    tpu.enqueue_dma source(%dma_start3A_25 : memref<512xf32, #tpu.memory_space<hbm>>) target(%arg6 : memref<512xf32, #tpu.memory_space<vmem>>) target_semaphore(%arg14 : memref<!tpu.dma_semaphore, #tpu.memory_space<semaphore_mem>>)
    %mul3A_26 = arith.constant 2 : i32
    %mul3A_27 = arith.muli %add3A, %mul3A_26 : i32
    %add3A_28 = arith.constant 1 : i32
    %add3A_29 = arith.addi %mul3A_27, %add3A_28 : i32
    %dma_start3A_30 = arith.constant 0 : i32
    %dma_start3A_31 = tpu.memref_slice %arg2[%add3A_29, %dma_start3A_30] : memref<64x512xf32, #tpu.memory_space<hbm>> -> memref<1x512xf32, #tpu.memory_space<hbm>>
    %dma_start3A_32 = tpu.memref_squeeze %dma_start3A_31 : memref<1x512xf32, #tpu.memory_space<hbm>> -> memref<512xf32, #tpu.memory_space<hbm>>
    %dma_start3A_33 = arith.constant 0 : i32
    %dma_start3A_34 = tpu.memref_slice %arg2[%add3A_29, %dma_start3A_33] : memref<64x512xf32, #tpu.memory_space<hbm>> -> memref<1x512xf32, #tpu.memory_space<hbm>>
    %dma_start3A_35 = tpu.memref_squeeze %dma_start3A_34 : memref<1x512xf32, #tpu.memory_space<hbm>> -> memref<512xf32, #tpu.memory_space<hbm>>
    tpu.enqueue_dma source(%dma_start3A_35 : memref<512xf32, #tpu.memory_space<hbm>>) target(%arg7 : memref<512xf32, #tpu.memory_space<vmem>>) target_semaphore(%arg14 : memref<!tpu.dma_semaphore, #tpu.memory_space<semaphore_mem>>)
    %mul3A_36 = arith.constant 2 : i32
    %mul3A_37 = arith.muli %add3A, %mul3A_36 : i32
    %add3A_38 = arith.constant 0 : i32
    %add3A_39 = arith.addi %mul3A_37, %add3A_38 : i32
    %dma_start3A_40 = arith.constant 0 : i32
    %dma_start3A_41 = tpu.memref_slice %arg3[%add3A_39, %dma_start3A_40] : memref<64x512xf32, #tpu.memory_space<hbm>> -> memref<1x512xf32, #tpu.memory_space<hbm>>
    %dma_start3A_42 = tpu.memref_squeeze %dma_start3A_41 : memref<1x512xf32, #tpu.memory_space<hbm>> -> memref<512xf32, #tpu.memory_space<hbm>>
    %dma_start3A_43 = arith.constant 0 : i32
    %dma_start3A_44 = tpu.memref_slice %arg3[%add3A_39, %dma_start3A_43] : memref<64x512xf32, #tpu.memory_space<hbm>> -> memref<1x512xf32, #tpu.memory_space<hbm>>
    %dma_start3A_45 = tpu.memref_squeeze %dma_start3A_44 : memref<1x512xf32, #tpu.memory_space<hbm>> -> memref<512xf32, #tpu.memory_space<hbm>>
    tpu.enqueue_dma source(%dma_start3A_45 : memref<512xf32, #tpu.memory_space<hbm>>) target(%arg8 : memref<512xf32, #tpu.memory_space<vmem>>) target_semaphore(%arg14 : memref<!tpu.dma_semaphore, #tpu.memory_space<semaphore_mem>>)
    %mul3A_46 = arith.constant 2 : i32
    %mul3A_47 = arith.muli %add3A, %mul3A_46 : i32
    %add3A_48 = arith.constant 1 : i32
    %add3A_49 = arith.addi %mul3A_47, %add3A_48 : i32
    %dma_start3A_50 = arith.constant 0 : i32
    %dma_start3A_51 = tpu.memref_slice %arg3[%add3A_49, %dma_start3A_50] : memref<64x512xf32, #tpu.memory_space<hbm>> -> memref<1x512xf32, #tpu.memory_space<hbm>>
    %dma_start3A_52 = tpu.memref_squeeze %dma_start3A_51 : memref<1x512xf32, #tpu.memory_space<hbm>> -> memref<512xf32, #tpu.memory_space<hbm>>
    %dma_start3A_53 = arith.constant 0 : i32
    %dma_start3A_54 = tpu.memref_slice %arg3[%add3A_49, %dma_start3A_53] : memref<64x512xf32, #tpu.memory_space<hbm>> -> memref<1x512xf32, #tpu.memory_space<hbm>>
    %dma_start3A_55 = tpu.memref_squeeze %dma_start3A_54 : memref<1x512xf32, #tpu.memory_space<hbm>> -> memref<512xf32, #tpu.memory_space<hbm>>
    tpu.enqueue_dma source(%dma_start3A_55 : memref<512xf32, #tpu.memory_space<hbm>>) target(%arg9 : memref<512xf32, #tpu.memory_space<vmem>>) target_semaphore(%arg14 : memref<!tpu.dma_semaphore, #tpu.memory_space<semaphore_mem>>)
    %dma_wait3A = arith.constant 0 : i32
    %dma_wait3A_56 = tpu.memref_slice %arg2[%add3A_20, %dma_wait3A] : memref<64x512xf32, #tpu.memory_space<hbm>> -> memref<1x512xf32, #tpu.memory_space<hbm>>
    %dma_wait3A_57 = tpu.memref_squeeze %dma_wait3A_56 : memref<1x512xf32, #tpu.memory_space<hbm>> -> memref<512xf32, #tpu.memory_space<hbm>>
    %dma_wait3A_58 = arith.constant 0 : i32
    %dma_wait3A_59 = tpu.memref_slice %arg2[%add3A_20, %dma_wait3A_58] : memref<64x512xf32, #tpu.memory_space<hbm>> -> memref<1x512xf32, #tpu.memory_space<hbm>>
    %dma_wait3A_60 = tpu.memref_squeeze %dma_wait3A_59 : memref<1x512xf32, #tpu.memory_space<hbm>> -> memref<512xf32, #tpu.memory_space<hbm>>
    tpu.wait_dma2 semaphore(%arg14 : memref<!tpu.dma_semaphore, #tpu.memory_space<semaphore_mem>>) src(%dma_wait3A_60 : memref<512xf32, #tpu.memory_space<hbm>>) dst(%arg6 : memref<512xf32, #tpu.memory_space<vmem>>)
    %dma_wait3A_61 = arith.constant 0 : i32
    %dma_wait3A_62 = tpu.memref_slice %arg2[%add3A_29, %dma_wait3A_61] : memref<64x512xf32, #tpu.memory_space<hbm>> -> memref<1x512xf32, #tpu.memory_space<hbm>>
    %dma_wait3A_63 = tpu.memref_squeeze %dma_wait3A_62 : memref<1x512xf32, #tpu.memory_space<hbm>> -> memref<512xf32, #tpu.memory_space<hbm>>
    %dma_wait3A_64 = arith.constant 0 : i32
    %dma_wait3A_65 = tpu.memref_slice %arg2[%add3A_29, %dma_wait3A_64] : memref<64x512xf32, #tpu.memory_space<hbm>> -> memref<1x512xf32, #tpu.memory_space<hbm>>
    %dma_wait3A_66 = tpu.memref_squeeze %dma_wait3A_65 : memref<1x512xf32, #tpu.memory_space<hbm>> -> memref<512xf32, #tpu.memory_space<hbm>>
    tpu.wait_dma2 semaphore(%arg14 : memref<!tpu.dma_semaphore, #tpu.memory_space<semaphore_mem>>) src(%dma_wait3A_66 : memref<512xf32, #tpu.memory_space<hbm>>) dst(%arg7 : memref<512xf32, #tpu.memory_space<vmem>>)
    %dma_wait3A_67 = arith.constant 0 : i32
    %dma_wait3A_68 = tpu.memref_slice %arg3[%add3A_39, %dma_wait3A_67] : memref<64x512xf32, #tpu.memory_space<hbm>> -> memref<1x512xf32, #tpu.memory_space<hbm>>
    %dma_wait3A_69 = tpu.memref_squeeze %dma_wait3A_68 : memref<1x512xf32, #tpu.memory_space<hbm>> -> memref<512xf32, #tpu.memory_space<hbm>>
    %dma_wait3A_70 = arith.constant 0 : i32
    %dma_wait3A_71 = tpu.memref_slice %arg3[%add3A_39, %dma_wait3A_70] : memref<64x512xf32, #tpu.memory_space<hbm>> -> memref<1x512xf32, #tpu.memory_space<hbm>>
    %dma_wait3A_72 = tpu.memref_squeeze %dma_wait3A_71 : memref<1x512xf32, #tpu.memory_space<hbm>> -> memref<512xf32, #tpu.memory_space<hbm>>
    tpu.wait_dma2 semaphore(%arg14 : memref<!tpu.dma_semaphore, #tpu.memory_space<semaphore_mem>>) src(%dma_wait3A_72 : memref<512xf32, #tpu.memory_space<hbm>>) dst(%arg8 : memref<512xf32, #tpu.memory_space<vmem>>)
    %dma_wait3A_73 = arith.constant 0 : i32
    %dma_wait3A_74 = tpu.memref_slice %arg3[%add3A_49, %dma_wait3A_73] : memref<64x512xf32, #tpu.memory_space<hbm>> -> memref<1x512xf32, #tpu.memory_space<hbm>>
    %dma_wait3A_75 = tpu.memref_squeeze %dma_wait3A_74 : memref<1x512xf32, #tpu.memory_space<hbm>> -> memref<512xf32, #tpu.memory_space<hbm>>
    %dma_wait3A_76 = arith.constant 0 : i32
    %dma_wait3A_77 = tpu.memref_slice %arg3[%add3A_49, %dma_wait3A_76] : memref<64x512xf32, #tpu.memory_space<hbm>> -> memref<1x512xf32, #tpu.memory_space<hbm>>
    %dma_wait3A_78 = tpu.memref_squeeze %dma_wait3A_77 : memref<1x512xf32, #tpu.memory_space<hbm>> -> memref<512xf32, #tpu.memory_space<hbm>>
    tpu.wait_dma2 semaphore(%arg14 : memref<!tpu.dma_semaphore, #tpu.memory_space<semaphore_mem>>) src(%dma_wait3A_78 : memref<512xf32, #tpu.memory_space<hbm>>) dst(%arg9 : memref<512xf32, #tpu.memory_space<vmem>>)
    %mul3A_79 = arith.constant 2 : i32
    %mul3A_80 = arith.muli %add3A, %mul3A_79 : i32
    %add3A_81 = arith.constant 0 : i32
    %add3A_82 = arith.addi %mul3A_80, %add3A_81 : i32
    %scan3A = arith.constant 0 : i32
    %scan3A_83 = arith.constant 0 : i32
    %scan3A_84 = arith.constant 64 : i32
    %scan3A_85 = arith.addi %scan3A_83, %scan3A_84 : i32
    %scan3A_86 = arith.constant 1 : i32
    scf.for %scan3A_166 = %scan3A_83 to %scan3A_85 step %scan3A_86  : i32 {
      %mul3A_167 = arith.constant 16 : i32
      %mul3A_168 = arith.muli %scan3A_166, %mul3A_167 : i32
      %add3A_169 = vector.broadcast %mul3A_168 : i32 to vector<16xi32>
      %add3A_170 = arith.addi %add3A_169, %iota3A : vector<16xi32>
      %jit3A_171 = arith.constant 2 : i32
      %div3A = vector.broadcast %jit3A_171 : i32 to vector<16xi32>
      %div3A_172 = arith.divsi %add3A_170, %div3A : vector<16xi32>
      %sign3A = arith.constant 0 : i32
      %sign3A_173 = vector.broadcast %sign3A : i32 to vector<16xi32>
      %sign3A_174 = arith.cmpi sgt, %add3A_170, %sign3A_173 : vector<16xi32>
      %sign3A_175 = arith.extui %sign3A_174 : vector<16xi1> to vector<16xi32>
      %sign3A_176 = arith.constant 0 : i32
      %sign3A_177 = vector.broadcast %sign3A_176 : i32 to vector<16xi32>
      %sign3A_178 = arith.cmpi slt, %add3A_170, %sign3A_177 : vector<16xi32>
      %sign3A_179 = arith.extui %sign3A_178 : vector<16xi1> to vector<16xi32>
      %sign3A_180 = arith.subi %sign3A_175, %sign3A_179 : vector<16xi32>
      %sign3A_181 = arith.constant 0 : i32
      %sign3A_182 = arith.cmpi sgt, %jit3A_171, %sign3A_181 : i32
      %sign3A_183 = arith.extui %sign3A_182 : i1 to i32
      %sign3A_184 = arith.constant 0 : i32
      %sign3A_185 = arith.cmpi slt, %jit3A_171, %sign3A_184 : i32
      %sign3A_186 = arith.extui %sign3A_185 : i1 to i32
      %sign3A_187 = arith.subi %sign3A_183, %sign3A_186 : i32
      %ne3A_188 = vector.broadcast %sign3A_187 : i32 to vector<16xi32>
      %ne3A_189 = arith.cmpi ne, %sign3A_180, %ne3A_188 : vector<16xi32>
      %rem3A_190 = vector.broadcast %jit3A_171 : i32 to vector<16xi32>
      %rem3A_191 = arith.remsi %add3A_170, %rem3A_190 : vector<16xi32>
      %ne3A_192 = arith.constant 0 : i32
      %ne3A_193 = vector.broadcast %ne3A_192 : i32 to vector<16xi32>
      %ne3A_194 = arith.cmpi ne, %rem3A_191, %ne3A_193 : vector<16xi32>
      %and3A_195 = arith.andi %ne3A_189, %ne3A_194 : vector<16xi1>
      %sub3A = arith.constant 1 : i32
      %sub3A_196 = vector.broadcast %sub3A : i32 to vector<16xi32>
      %sub3A_197 = arith.subi %div3A_172, %sub3A_196 : vector<16xi32>
      %select_n3A_198 = arith.select %and3A_195, %sub3A_197, %div3A_172 : vector<16xi1>, vector<16xi32>
      %gather3A = tpu.vector_load_idx %arg6[%select_n3A_198] : memref<512xf32, #tpu.memory_space<vmem>>[vector<16xi32>], vector<16xf32>,
      %eq3A_199 = arith.constant 0 : i32
      %eq3A_200 = vector.broadcast %eq3A_199 : i32 to vector<16xi32>
      %eq3A_201 = arith.cmpi eq, %select_n3A_16, %eq3A_200 : vector<16xi32>
      %select_n3A_202 = arith.select %eq3A_201, %gather3A, %broadcast_in_dim3A_1 : vector<16xi1>, vector<16xf32>
      %mul3A_203 = arith.constant 16 : i32
      %mul3A_204 = arith.muli %scan3A_166, %mul3A_203 : i32
      %swap3A = arith.index_cast %mul3A_204 : i32 to index
      %swap3A_205 = tpu.vector_load %arg10[%swap3A] {strides = array<i32>} : memref<1024xf32, #tpu.memory_space<vmem>>, vector<16xf32>,
      tpu.vector_store %arg10[%swap3A], %select_n3A_202 {strides = array<i32>} : memref<1024xf32, #tpu.memory_space<vmem>>, vector<16xf32>,
    }
    %scan3A_87 = arith.constant 64 : i32
    %dma_start3A_88 = arith.constant 0 : i32
    %dma_start3A_89 = tpu.memref_slice %arg4[%add3A_82, %dma_start3A_88] : memref<64x1024xf32, #tpu.memory_space<hbm>> -> memref<1x1024xf32, #tpu.memory_space<hbm>>
    %dma_start3A_90 = tpu.memref_squeeze %dma_start3A_89 : memref<1x1024xf32, #tpu.memory_space<hbm>> -> memref<1024xf32, #tpu.memory_space<hbm>>
    %dma_start3A_91 = arith.constant 0 : i32
    %dma_start3A_92 = tpu.memref_slice %arg4[%add3A_82, %dma_start3A_91] : memref<64x1024xf32, #tpu.memory_space<hbm>> -> memref<1x1024xf32, #tpu.memory_space<hbm>>
    %dma_start3A_93 = tpu.memref_squeeze %dma_start3A_92 : memref<1x1024xf32, #tpu.memory_space<hbm>> -> memref<1024xf32, #tpu.memory_space<hbm>>
    tpu.enqueue_dma source(%arg10 : memref<1024xf32, #tpu.memory_space<vmem>>) target(%dma_start3A_93 : memref<1024xf32, #tpu.memory_space<hbm>>) target_semaphore(%arg15 : memref<!tpu.dma_semaphore, #tpu.memory_space<semaphore_mem>>)
    %mul3A_94 = arith.constant 2 : i32
    %mul3A_95 = arith.muli %add3A, %mul3A_94 : i32
    %add3A_96 = arith.constant 1 : i32
    %add3A_97 = arith.addi %mul3A_95, %add3A_96 : i32
    %scan3A_98 = arith.constant 0 : i32
    %scan3A_99 = arith.constant 0 : i32
    %scan3A_100 = arith.constant 64 : i32
    %scan3A_101 = arith.addi %scan3A_99, %scan3A_100 : i32
    %scan3A_102 = arith.constant 1 : i32
    scf.for %scan3A_166 = %scan3A_99 to %scan3A_101 step %scan3A_102  : i32 {
      %mul3A_167 = arith.constant 16 : i32
      %mul3A_168 = arith.muli %scan3A_166, %mul3A_167 : i32
      %add3A_169 = vector.broadcast %mul3A_168 : i32 to vector<16xi32>
      %add3A_170 = arith.addi %add3A_169, %iota3A : vector<16xi32>
      %jit3A_171 = arith.constant 2 : i32
      %div3A = vector.broadcast %jit3A_171 : i32 to vector<16xi32>
      %div3A_172 = arith.divsi %add3A_170, %div3A : vector<16xi32>
      %sign3A = arith.constant 0 : i32
      %sign3A_173 = vector.broadcast %sign3A : i32 to vector<16xi32>
      %sign3A_174 = arith.cmpi sgt, %add3A_170, %sign3A_173 : vector<16xi32>
      %sign3A_175 = arith.extui %sign3A_174 : vector<16xi1> to vector<16xi32>
      %sign3A_176 = arith.constant 0 : i32
      %sign3A_177 = vector.broadcast %sign3A_176 : i32 to vector<16xi32>
      %sign3A_178 = arith.cmpi slt, %add3A_170, %sign3A_177 : vector<16xi32>
      %sign3A_179 = arith.extui %sign3A_178 : vector<16xi1> to vector<16xi32>
      %sign3A_180 = arith.subi %sign3A_175, %sign3A_179 : vector<16xi32>
      %sign3A_181 = arith.constant 0 : i32
      %sign3A_182 = arith.cmpi sgt, %jit3A_171, %sign3A_181 : i32
      %sign3A_183 = arith.extui %sign3A_182 : i1 to i32
      %sign3A_184 = arith.constant 0 : i32
      %sign3A_185 = arith.cmpi slt, %jit3A_171, %sign3A_184 : i32
      %sign3A_186 = arith.extui %sign3A_185 : i1 to i32
      %sign3A_187 = arith.subi %sign3A_183, %sign3A_186 : i32
      %ne3A_188 = vector.broadcast %sign3A_187 : i32 to vector<16xi32>
      %ne3A_189 = arith.cmpi ne, %sign3A_180, %ne3A_188 : vector<16xi32>
      %rem3A_190 = vector.broadcast %jit3A_171 : i32 to vector<16xi32>
      %rem3A_191 = arith.remsi %add3A_170, %rem3A_190 : vector<16xi32>
      %ne3A_192 = arith.constant 0 : i32
      %ne3A_193 = vector.broadcast %ne3A_192 : i32 to vector<16xi32>
      %ne3A_194 = arith.cmpi ne, %rem3A_191, %ne3A_193 : vector<16xi32>
      %and3A_195 = arith.andi %ne3A_189, %ne3A_194 : vector<16xi1>
      %sub3A = arith.constant 1 : i32
      %sub3A_196 = vector.broadcast %sub3A : i32 to vector<16xi32>
      %sub3A_197 = arith.subi %div3A_172, %sub3A_196 : vector<16xi32>
      %select_n3A_198 = arith.select %and3A_195, %sub3A_197, %div3A_172 : vector<16xi1>, vector<16xi32>
      %gather3A = tpu.vector_load_idx %arg7[%select_n3A_198] : memref<512xf32, #tpu.memory_space<vmem>>[vector<16xi32>], vector<16xf32>,
      %eq3A_199 = arith.constant 0 : i32
      %eq3A_200 = vector.broadcast %eq3A_199 : i32 to vector<16xi32>
      %eq3A_201 = arith.cmpi eq, %select_n3A_16, %eq3A_200 : vector<16xi32>
      %select_n3A_202 = arith.select %eq3A_201, %gather3A, %broadcast_in_dim3A_1 : vector<16xi1>, vector<16xf32>
      %mul3A_203 = arith.constant 16 : i32
      %mul3A_204 = arith.muli %scan3A_166, %mul3A_203 : i32
      %swap3A = arith.index_cast %mul3A_204 : i32 to index
      %swap3A_205 = tpu.vector_load %arg11[%swap3A] {strides = array<i32>} : memref<1024xf32, #tpu.memory_space<vmem>>, vector<16xf32>,
      tpu.vector_store %arg11[%swap3A], %select_n3A_202 {strides = array<i32>} : memref<1024xf32, #tpu.memory_space<vmem>>, vector<16xf32>,
    }
    %scan3A_103 = arith.constant 64 : i32
    %dma_start3A_104 = arith.constant 0 : i32
    %dma_start3A_105 = tpu.memref_slice %arg4[%add3A_97, %dma_start3A_104] : memref<64x1024xf32, #tpu.memory_space<hbm>> -> memref<1x1024xf32, #tpu.memory_space<hbm>>
    %dma_start3A_106 = tpu.memref_squeeze %dma_start3A_105 : memref<1x1024xf32, #tpu.memory_space<hbm>> -> memref<1024xf32, #tpu.memory_space<hbm>>
    %dma_start3A_107 = arith.constant 0 : i32
    %dma_start3A_108 = tpu.memref_slice %arg4[%add3A_97, %dma_start3A_107] : memref<64x1024xf32, #tpu.memory_space<hbm>> -> memref<1x1024xf32, #tpu.memory_space<hbm>>
    %dma_start3A_109 = tpu.memref_squeeze %dma_start3A_108 : memref<1x1024xf32, #tpu.memory_space<hbm>> -> memref<1024xf32, #tpu.memory_space<hbm>>
    tpu.enqueue_dma source(%arg11 : memref<1024xf32, #tpu.memory_space<vmem>>) target(%dma_start3A_109 : memref<1024xf32, #tpu.memory_space<hbm>>) target_semaphore(%arg15 : memref<!tpu.dma_semaphore, #tpu.memory_space<semaphore_mem>>)
    %mul3A_110 = arith.constant 2 : i32
    %mul3A_111 = arith.muli %add3A, %mul3A_110 : i32
    %add3A_112 = arith.constant 0 : i32
    %add3A_113 = arith.addi %mul3A_111, %add3A_112 : i32
    %scan3A_114 = arith.constant 0 : i32
    %scan3A_115 = arith.constant 0 : i32
    %scan3A_116 = arith.constant 64 : i32
    %scan3A_117 = arith.addi %scan3A_115, %scan3A_116 : i32
    %scan3A_118 = arith.constant 1 : i32
    scf.for %scan3A_166 = %scan3A_115 to %scan3A_117 step %scan3A_118  : i32 {
      %mul3A_167 = arith.constant 16 : i32
      %mul3A_168 = arith.muli %scan3A_166, %mul3A_167 : i32
      %add3A_169 = vector.broadcast %mul3A_168 : i32 to vector<16xi32>
      %add3A_170 = arith.addi %add3A_169, %iota3A : vector<16xi32>
      %jit3A_171 = arith.constant 2 : i32
      %div3A = vector.broadcast %jit3A_171 : i32 to vector<16xi32>
      %div3A_172 = arith.divsi %add3A_170, %div3A : vector<16xi32>
      %sign3A = arith.constant 0 : i32
      %sign3A_173 = vector.broadcast %sign3A : i32 to vector<16xi32>
      %sign3A_174 = arith.cmpi sgt, %add3A_170, %sign3A_173 : vector<16xi32>
      %sign3A_175 = arith.extui %sign3A_174 : vector<16xi1> to vector<16xi32>
      %sign3A_176 = arith.constant 0 : i32
      %sign3A_177 = vector.broadcast %sign3A_176 : i32 to vector<16xi32>
      %sign3A_178 = arith.cmpi slt, %add3A_170, %sign3A_177 : vector<16xi32>
      %sign3A_179 = arith.extui %sign3A_178 : vector<16xi1> to vector<16xi32>
      %sign3A_180 = arith.subi %sign3A_175, %sign3A_179 : vector<16xi32>
      %sign3A_181 = arith.constant 0 : i32
      %sign3A_182 = arith.cmpi sgt, %jit3A_171, %sign3A_181 : i32
      %sign3A_183 = arith.extui %sign3A_182 : i1 to i32
      %sign3A_184 = arith.constant 0 : i32
      %sign3A_185 = arith.cmpi slt, %jit3A_171, %sign3A_184 : i32
      %sign3A_186 = arith.extui %sign3A_185 : i1 to i32
      %sign3A_187 = arith.subi %sign3A_183, %sign3A_186 : i32
      %ne3A_188 = vector.broadcast %sign3A_187 : i32 to vector<16xi32>
      %ne3A_189 = arith.cmpi ne, %sign3A_180, %ne3A_188 : vector<16xi32>
      %rem3A_190 = vector.broadcast %jit3A_171 : i32 to vector<16xi32>
      %rem3A_191 = arith.remsi %add3A_170, %rem3A_190 : vector<16xi32>
      %ne3A_192 = arith.constant 0 : i32
      %ne3A_193 = vector.broadcast %ne3A_192 : i32 to vector<16xi32>
      %ne3A_194 = arith.cmpi ne, %rem3A_191, %ne3A_193 : vector<16xi32>
      %and3A_195 = arith.andi %ne3A_189, %ne3A_194 : vector<16xi1>
      %sub3A = arith.constant 1 : i32
      %sub3A_196 = vector.broadcast %sub3A : i32 to vector<16xi32>
      %sub3A_197 = arith.subi %div3A_172, %sub3A_196 : vector<16xi32>
      %select_n3A_198 = arith.select %and3A_195, %sub3A_197, %div3A_172 : vector<16xi1>, vector<16xi32>
      %gather3A = tpu.vector_load_idx %arg8[%select_n3A_198] : memref<512xf32, #tpu.memory_space<vmem>>[vector<16xi32>], vector<16xf32>,
      %eq3A_199 = arith.constant 1 : i32
      %eq3A_200 = vector.broadcast %eq3A_199 : i32 to vector<16xi32>
      %eq3A_201 = arith.cmpi eq, %select_n3A_16, %eq3A_200 : vector<16xi32>
      %select_n3A_202 = arith.select %eq3A_201, %gather3A, %broadcast_in_dim3A_1 : vector<16xi1>, vector<16xf32>
      %mul3A_203 = arith.constant 16 : i32
      %mul3A_204 = arith.muli %scan3A_166, %mul3A_203 : i32
      %swap3A = arith.index_cast %mul3A_204 : i32 to index
      %swap3A_205 = tpu.vector_load %arg12[%swap3A] {strides = array<i32>} : memref<1024xf32, #tpu.memory_space<vmem>>, vector<16xf32>,
      tpu.vector_store %arg12[%swap3A], %select_n3A_202 {strides = array<i32>} : memref<1024xf32, #tpu.memory_space<vmem>>, vector<16xf32>,
    }
    %scan3A_119 = arith.constant 64 : i32
    %dma_start3A_120 = arith.constant 0 : i32
    %dma_start3A_121 = tpu.memref_slice %arg5[%add3A_113, %dma_start3A_120] : memref<64x1024xf32, #tpu.memory_space<hbm>> -> memref<1x1024xf32, #tpu.memory_space<hbm>>
    %dma_start3A_122 = tpu.memref_squeeze %dma_start3A_121 : memref<1x1024xf32, #tpu.memory_space<hbm>> -> memref<1024xf32, #tpu.memory_space<hbm>>
    %dma_start3A_123 = arith.constant 0 : i32
    %dma_start3A_124 = tpu.memref_slice %arg5[%add3A_113, %dma_start3A_123] : memref<64x1024xf32, #tpu.memory_space<hbm>> -> memref<1x1024xf32, #tpu.memory_space<hbm>>
    %dma_start3A_125 = tpu.memref_squeeze %dma_start3A_124 : memref<1x1024xf32, #tpu.memory_space<hbm>> -> memref<1024xf32, #tpu.memory_space<hbm>>
    tpu.enqueue_dma source(%arg12 : memref<1024xf32, #tpu.memory_space<vmem>>) target(%dma_start3A_125 : memref<1024xf32, #tpu.memory_space<hbm>>) target_semaphore(%arg15 : memref<!tpu.dma_semaphore, #tpu.memory_space<semaphore_mem>>)
    %mul3A_126 = arith.constant 2 : i32
    %mul3A_127 = arith.muli %add3A, %mul3A_126 : i32
    %add3A_128 = arith.constant 1 : i32
    %add3A_129 = arith.addi %mul3A_127, %add3A_128 : i32
    %scan3A_130 = arith.constant 0 : i32
    %scan3A_131 = arith.constant 0 : i32
    %scan3A_132 = arith.constant 64 : i32
    %scan3A_133 = arith.addi %scan3A_131, %scan3A_132 : i32
    %scan3A_134 = arith.constant 1 : i32
    scf.for %scan3A_166 = %scan3A_131 to %scan3A_133 step %scan3A_134  : i32 {
      %mul3A_167 = arith.constant 16 : i32
      %mul3A_168 = arith.muli %scan3A_166, %mul3A_167 : i32
      %add3A_169 = vector.broadcast %mul3A_168 : i32 to vector<16xi32>
      %add3A_170 = arith.addi %add3A_169, %iota3A : vector<16xi32>
      %jit3A_171 = arith.constant 2 : i32
      %div3A = vector.broadcast %jit3A_171 : i32 to vector<16xi32>
      %div3A_172 = arith.divsi %add3A_170, %div3A : vector<16xi32>
      %sign3A = arith.constant 0 : i32
      %sign3A_173 = vector.broadcast %sign3A : i32 to vector<16xi32>
      %sign3A_174 = arith.cmpi sgt, %add3A_170, %sign3A_173 : vector<16xi32>
      %sign3A_175 = arith.extui %sign3A_174 : vector<16xi1> to vector<16xi32>
      %sign3A_176 = arith.constant 0 : i32
      %sign3A_177 = vector.broadcast %sign3A_176 : i32 to vector<16xi32>
      %sign3A_178 = arith.cmpi slt, %add3A_170, %sign3A_177 : vector<16xi32>
      %sign3A_179 = arith.extui %sign3A_178 : vector<16xi1> to vector<16xi32>
      %sign3A_180 = arith.subi %sign3A_175, %sign3A_179 : vector<16xi32>
      %sign3A_181 = arith.constant 0 : i32
      %sign3A_182 = arith.cmpi sgt, %jit3A_171, %sign3A_181 : i32
      %sign3A_183 = arith.extui %sign3A_182 : i1 to i32
      %sign3A_184 = arith.constant 0 : i32
      %sign3A_185 = arith.cmpi slt, %jit3A_171, %sign3A_184 : i32
      %sign3A_186 = arith.extui %sign3A_185 : i1 to i32
      %sign3A_187 = arith.subi %sign3A_183, %sign3A_186 : i32
      %ne3A_188 = vector.broadcast %sign3A_187 : i32 to vector<16xi32>
      %ne3A_189 = arith.cmpi ne, %sign3A_180, %ne3A_188 : vector<16xi32>
      %rem3A_190 = vector.broadcast %jit3A_171 : i32 to vector<16xi32>
      %rem3A_191 = arith.remsi %add3A_170, %rem3A_190 : vector<16xi32>
      %ne3A_192 = arith.constant 0 : i32
      %ne3A_193 = vector.broadcast %ne3A_192 : i32 to vector<16xi32>
      %ne3A_194 = arith.cmpi ne, %rem3A_191, %ne3A_193 : vector<16xi32>
      %and3A_195 = arith.andi %ne3A_189, %ne3A_194 : vector<16xi1>
      %sub3A = arith.constant 1 : i32
      %sub3A_196 = vector.broadcast %sub3A : i32 to vector<16xi32>
      %sub3A_197 = arith.subi %div3A_172, %sub3A_196 : vector<16xi32>
      %select_n3A_198 = arith.select %and3A_195, %sub3A_197, %div3A_172 : vector<16xi1>, vector<16xi32>
      %gather3A = tpu.vector_load_idx %arg9[%select_n3A_198] : memref<512xf32, #tpu.memory_space<vmem>>[vector<16xi32>], vector<16xf32>,
      %eq3A_199 = arith.constant 1 : i32
      %eq3A_200 = vector.broadcast %eq3A_199 : i32 to vector<16xi32>
      %eq3A_201 = arith.cmpi eq, %select_n3A_16, %eq3A_200 : vector<16xi32>
      %select_n3A_202 = arith.select %eq3A_201, %gather3A, %broadcast_in_dim3A_1 : vector<16xi1>, vector<16xf32>
      %mul3A_203 = arith.constant 16 : i32
      %mul3A_204 = arith.muli %scan3A_166, %mul3A_203 : i32
      %swap3A = arith.index_cast %mul3A_204 : i32 to index
      %swap3A_205 = tpu.vector_load %arg13[%swap3A] {strides = array<i32>} : memref<1024xf32, #tpu.memory_space<vmem>>, vector<16xf32>,
      tpu.vector_store %arg13[%swap3A], %select_n3A_202 {strides = array<i32>} : memref<1024xf32, #tpu.memory_space<vmem>>, vector<16xf32>,
    }
    %scan3A_135 = arith.constant 64 : i32
    %dma_start3A_136 = arith.constant 0 : i32
    %dma_start3A_137 = tpu.memref_slice %arg5[%add3A_129, %dma_start3A_136] : memref<64x1024xf32, #tpu.memory_space<hbm>> -> memref<1x1024xf32, #tpu.memory_space<hbm>>
    %dma_start3A_138 = tpu.memref_squeeze %dma_start3A_137 : memref<1x1024xf32, #tpu.memory_space<hbm>> -> memref<1024xf32, #tpu.memory_space<hbm>>
    %dma_start3A_139 = arith.constant 0 : i32
    %dma_start3A_140 = tpu.memref_slice %arg5[%add3A_129, %dma_start3A_139] : memref<64x1024xf32, #tpu.memory_space<hbm>> -> memref<1x1024xf32, #tpu.memory_space<hbm>>
    %dma_start3A_141 = tpu.memref_squeeze %dma_start3A_140 : memref<1x1024xf32, #tpu.memory_space<hbm>> -> memref<1024xf32, #tpu.memory_space<hbm>>
    tpu.enqueue_dma source(%arg13 : memref<1024xf32, #tpu.memory_space<vmem>>) target(%dma_start3A_141 : memref<1024xf32, #tpu.memory_space<hbm>>) target_semaphore(%arg15 : memref<!tpu.dma_semaphore, #tpu.memory_space<semaphore_mem>>)
    %dma_wait3A_142 = arith.constant 0 : i32
    %dma_wait3A_143 = tpu.memref_slice %arg4[%add3A_82, %dma_wait3A_142] : memref<64x1024xf32, #tpu.memory_space<hbm>> -> memref<1x1024xf32, #tpu.memory_space<hbm>>
    %dma_wait3A_144 = tpu.memref_squeeze %dma_wait3A_143 : memref<1x1024xf32, #tpu.memory_space<hbm>> -> memref<1024xf32, #tpu.memory_space<hbm>>
    %dma_wait3A_145 = arith.constant 0 : i32
    %dma_wait3A_146 = tpu.memref_slice %arg4[%add3A_82, %dma_wait3A_145] : memref<64x1024xf32, #tpu.memory_space<hbm>> -> memref<1x1024xf32, #tpu.memory_space<hbm>>
    %dma_wait3A_147 = tpu.memref_squeeze %dma_wait3A_146 : memref<1x1024xf32, #tpu.memory_space<hbm>> -> memref<1024xf32, #tpu.memory_space<hbm>>
    tpu.wait_dma2 semaphore(%arg15 : memref<!tpu.dma_semaphore, #tpu.memory_space<semaphore_mem>>) src(%arg10 : memref<1024xf32, #tpu.memory_space<vmem>>) dst(%dma_wait3A_147 : memref<1024xf32, #tpu.memory_space<hbm>>)
    %dma_wait3A_148 = arith.constant 0 : i32
    %dma_wait3A_149 = tpu.memref_slice %arg4[%add3A_97, %dma_wait3A_148] : memref<64x1024xf32, #tpu.memory_space<hbm>> -> memref<1x1024xf32, #tpu.memory_space<hbm>>
    %dma_wait3A_150 = tpu.memref_squeeze %dma_wait3A_149 : memref<1x1024xf32, #tpu.memory_space<hbm>> -> memref<1024xf32, #tpu.memory_space<hbm>>
    %dma_wait3A_151 = arith.constant 0 : i32
    %dma_wait3A_152 = tpu.memref_slice %arg4[%add3A_97, %dma_wait3A_151] : memref<64x1024xf32, #tpu.memory_space<hbm>> -> memref<1x1024xf32, #tpu.memory_space<hbm>>
    %dma_wait3A_153 = tpu.memref_squeeze %dma_wait3A_152 : memref<1x1024xf32, #tpu.memory_space<hbm>> -> memref<1024xf32, #tpu.memory_space<hbm>>
    tpu.wait_dma2 semaphore(%arg15 : memref<!tpu.dma_semaphore, #tpu.memory_space<semaphore_mem>>) src(%arg11 : memref<1024xf32, #tpu.memory_space<vmem>>) dst(%dma_wait3A_153 : memref<1024xf32, #tpu.memory_space<hbm>>)
    %dma_wait3A_154 = arith.constant 0 : i32
    %dma_wait3A_155 = tpu.memref_slice %arg5[%add3A_113, %dma_wait3A_154] : memref<64x1024xf32, #tpu.memory_space<hbm>> -> memref<1x1024xf32, #tpu.memory_space<hbm>>
    %dma_wait3A_156 = tpu.memref_squeeze %dma_wait3A_155 : memref<1x1024xf32, #tpu.memory_space<hbm>> -> memref<1024xf32, #tpu.memory_space<hbm>>
    %dma_wait3A_157 = arith.constant 0 : i32
    %dma_wait3A_158 = tpu.memref_slice %arg5[%add3A_113, %dma_wait3A_157] : memref<64x1024xf32, #tpu.memory_space<hbm>> -> memref<1x1024xf32, #tpu.memory_space<hbm>>
    %dma_wait3A_159 = tpu.memref_squeeze %dma_wait3A_158 : memref<1x1024xf32, #tpu.memory_space<hbm>> -> memref<1024xf32, #tpu.memory_space<hbm>>
    tpu.wait_dma2 semaphore(%arg15 : memref<!tpu.dma_semaphore, #tpu.memory_space<semaphore_mem>>) src(%arg12 : memref<1024xf32, #tpu.memory_space<vmem>>) dst(%dma_wait3A_159 : memref<1024xf32, #tpu.memory_space<hbm>>)
    %dma_wait3A_160 = arith.constant 0 : i32
    %dma_wait3A_161 = tpu.memref_slice %arg5[%add3A_129, %dma_wait3A_160] : memref<64x1024xf32, #tpu.memory_space<hbm>> -> memref<1x1024xf32, #tpu.memory_space<hbm>>
    %dma_wait3A_162 = tpu.memref_squeeze %dma_wait3A_161 : memref<1x1024xf32, #tpu.memory_space<hbm>> -> memref<1024xf32, #tpu.memory_space<hbm>>
    %dma_wait3A_163 = arith.constant 0 : i32
    %dma_wait3A_164 = tpu.memref_slice %arg5[%add3A_129, %dma_wait3A_163] : memref<64x1024xf32, #tpu.memory_space<hbm>> -> memref<1x1024xf32, #tpu.memory_space<hbm>>
    %dma_wait3A_165 = tpu.memref_squeeze %dma_wait3A_164 : memref<1x1024xf32, #tpu.memory_space<hbm>> -> memref<1024xf32, #tpu.memory_space<hbm>>
    tpu.wait_dma2 semaphore(%arg15 : memref<!tpu.dma_semaphore, #tpu.memory_space<semaphore_mem>>) src(%arg13 : memref<1024xf32, #tpu.memory_space<vmem>>) dst(%dma_wait3A_165 : memref<1024xf32, #tpu.memory_space<hbm>>)
    return
  }
}

module attributes {stable_mosaic.version = 14 : i64} {
  func.func @_add_body(%arg0: i32, %arg1: memref<4x1x64x1024xf32, #tpu.memory_space<vmem>>, %arg2: memref<1x1x1024xf32, #tpu.memory_space<vmem>>, %arg3: memref<64x1024xf32, #tpu.memory_space<vmem>>, %arg4: memref<4x1x64x1024xf32, #tpu.memory_space<vmem>>) attributes {dimension_semantics = [#tpu.dimension_semantics<arbitrary>], iteration_bounds = array<i64: 64>, scalar_prefetch = 0 : i64, scratch_operands = 0 : i64, tpu.core_type = #tpu.core_type<tc>, window_params = [{transform_indices = @transform_0, window_bounds = array<i64: 4, 1, 64, 1024>}, {transform_indices = @transform_1, window_bounds = array<i64: 1, 1, 1024>}, {pipeline_mode = #tpu.pipeline_mode<synchronous>, transform_indices = @transform_2, window_bounds = array<i64: 64, 1024>}, {transform_indices = @transform_3, window_bounds = array<i64: 4, 1, 64, 1024>}]} {
    %get3A = arith.constant 0 : index
    %get3A_0 = arith.constant 0 : index
    %get3A_1 = arith.constant 0 : index
    %get3A_2 = arith.constant 0 : index
    %get3A_3 = vector.load %arg1[%get3A, %get3A_0, %get3A_1, %get3A_2] : memref<4x1x64x1024xf32, #tpu.memory_space<vmem>>, vector<4x1x64x1024xf32>
    %get3A_4 = arith.constant 0 : index
    %get3A_5 = arith.constant 0 : index
    %get3A_6 = arith.constant 0 : index
    %get3A_7 = vector.load %arg2[%get3A_4, %get3A_5, %get3A_6] : memref<1x1x1024xf32, #tpu.memory_space<vmem>>, vector<1x1x1024xf32>
    %get3A_8 = vector.shape_cast %get3A_7 : vector<1x1x1024xf32> to vector<1x1024xf32>
    %broadcast_in_dim3A = vector.shape_cast %get3A_8 : vector<1x1024xf32> to vector<1x1x1x1024xf32>
    %add3A = vector.broadcast %broadcast_in_dim3A : vector<1x1x1x1024xf32> to vector<4x1x64x1024xf32>
    %add3A_9 = arith.addf %get3A_3, %add3A : vector<4x1x64x1024xf32>
    %get3A_10 = arith.constant 0 : index
    %get3A_11 = arith.constant 0 : index
    %get3A_12 = vector.load %arg3[%get3A_10, %get3A_11] : memref<64x1024xf32, #tpu.memory_space<vmem>>, vector<64x1024xf32>
    %broadcast_in_dim3A_13 = vector.shape_cast %get3A_12 : vector<64x1024xf32> to vector<1x1x64x1024xf32>
    %add3A_14 = vector.broadcast %broadcast_in_dim3A_13 : vector<1x1x64x1024xf32> to vector<4x1x64x1024xf32>
    %add3A_15 = arith.addf %add3A_9, %add3A_14 : vector<4x1x64x1024xf32>
    %swap3A = arith.constant 0 : index
    %swap3A_16 = arith.constant 0 : index
    %swap3A_17 = arith.constant 0 : index
    %swap3A_18 = arith.constant 0 : index
    %swap3A_19 = vector.load %arg4[%swap3A, %swap3A_16, %swap3A_17, %swap3A_18] : memref<4x1x64x1024xf32, #tpu.memory_space<vmem>>, vector<4x1x64x1024xf32>
    tpu.vector_store %arg4[%swap3A, %swap3A_16, %swap3A_17, %swap3A_18], %add3A_15 {strides = array<i32>} : memref<4x1x64x1024xf32, #tpu.memory_space<vmem>>, vector<4x1x64x1024xf32>,
    return
  }
  func.func @transform_0(%arg0: i32) -> (i32, i32, i32, i32) {
    %c0_i32 = arith.constant 0 : i32
    %c0_i32_0 = arith.constant 0 : i32
    %c0_i32_1 = arith.constant 0 : i32
    %c0_i32_2 = arith.constant 0 : i32
    return %c0_i32, %arg0, %c0_i32_0, %c0_i32_1 : i32, i32, i32, i32
  }
  func.func @transform_1(%arg0: i32) -> (i32, i32, i32) {
    %c0_i32 = arith.constant 0 : i32
    %c0_i32_0 = arith.constant 0 : i32
    %c0_i32_1 = arith.constant 0 : i32
    return %arg0, %c0_i32, %c0_i32_0 : i32, i32, i32
  }
  func.func @transform_2(%arg0: i32) -> (i32, i32) {
    %c0_i32 = arith.constant 0 : i32
    %c0_i32_0 = arith.constant 0 : i32
    %c0_i32_1 = arith.constant 0 : i32
    return %c0_i32, %c0_i32_0 : i32, i32
  }
  func.func @transform_3(%arg0: i32) -> (i32, i32, i32, i32) {
    %c0_i32 = arith.constant 0 : i32
    %c0_i32_0 = arith.constant 0 : i32
    %c0_i32_1 = arith.constant 0 : i32
    %c0_i32_2 = arith.constant 0 : i32
    return %c0_i32, %arg0, %c0_i32_0, %c0_i32_1 : i32, i32, i32, i32
  }
}

</mosaic_0001>

<sc_bundles>
// kernel: kernel.4.cloned.1.call-start
scs
__scs_entry_jumppad:
0x0: {  	(pc) =	sbr.rel $0x88, $3  }
0x1: {  	(tag) =	ssettag $0x0;
	lr =	simm.s32 $0x1  }
0x2: {  	[smem:$0x3F9E] =	sst lr;
	_ =	strace $0xD0000000  }
0x3: {  	_ = 	snop  }
0x4: {  	_ = 	snop  }
0x5: {  	_ = 	snop  }
0x6: {  	_ = 	snop  }
0x7: {  	_ = 	snop  }
__scs_overlays_trampoline_lowered:
0x8: {  	[smem:$0x3FAD] =	sst s0  }
0x9: {  	[smem:$0x3FAE] =	sst s1  }
0xa: {  	[smem:$0x3FAF] =	sst s2  }
0xb: {  	[smem:$0x3FB0] =	sst s3  }
0xc: {  	[smem:$0x3FB1] =	sst s4  }
0xd: {  	[smem:$0x3FB2] =	sst s5  }
0xe: {  	[smem:$0x3FB3] =	sst s6  }
0xf: {  	[smem:$0x3FB4] =	sst s7  }
0x10: {  	[smem:$0x3FB5] =	sst s8  }
0x11: {  	[smem:$0x3FB6] =	sst s9;
	s0 =	simm.s32 @!p0 $0x0  }
0x12: {  	s1 =	sld [smem:$0x3F9C];
	s0 =	simm.s32 @p0 $0x1  }
0x13: {  	[smem:$0x3FB7] =	sst s0;
	s0 =	simm.s32 @!p1 $0x0  }
0x14: {  	s2 =	sld [smem:$0x3F9B];
	s0 =	simm.s32 @p1 $0x1  }
0x15: {  	[smem:$0x3FB8] =	sst s0;
	s0 =	simm.s32 @!p2 $0x0  }
0x16: {  	s3 =	sld [smem:$0x3FDB];
	s0 =	simm.s32 @p2 $0x1  }
0x17: {  	s4 =	simm.s32 $0x1BF5;
	[smem:$0x3FBA] =	sst s0  }
0x18: {  	s0 =	sld [smem:$0x3F9D];
	_ =	swait.ge [sflag:s4], $0x0  }
0x19: {  	s7 =	sld [smem:$0x3F9E]  }
0x1a: {  	s8 =	sadd.s32 $0xFFFFE003, lr  }
0x1b: {  	s9 =	sadd.s32 $0xFFFFFEF7, lr;
	s5 =	simm.s32 $0xFFFFFFFF;
	p2 =	slt.u32 s8, $0xFFFFF086  }
0x1c: {  	p1 =	slt.u32 s9, $0xF7A;
	s5 =	simm.s32 @!p2 $0x0  }
0x1d: {  	s5 =	simm.s32 @p1 $0x1;
	p0 =	seq.s32 s7, s2  }
0x1e: {  	s7 =	smul.u32 @!p0 $0xF7A, s2;
	p2 =	seq.s32 @!p0 s5, $0x0  }
0x1f: {  	s9 =	smul.u32 $0xF7A, s1;
	s8 =	simm.s32 @!p0 $0x1BF5;
	p2 =	por !p2, p0  }
0x20: {  	[sflag:s8] =	ssyncset.s32 @!p0 $0xFFFFF086;
	s6 =	sadd.s32 @!p0 s3, s7;
	s7 =	simm.s32 @!p0 $0x108  }
0x21: {  	s3 =	sadd.s32 s3, s9;
	s6 =	sadd.s32 @!p0 $0x88, s6;
	s7 =	simm.s32 @p2 $0x1082  }
0x22: {  	[simem:s7], [sflag:s8] =	dma.local @!p0 [hbm:s6], $0xF7A  }
0x23: {  	s9 =	sor.u32 $0xD0000000, s2;
	s6 =	simm.s32 $0x108;
	_ =	swait.ge @!p0 [sflag:s8], $0x0  }
0x24: {  	s3 =	sadd.s32 $0x88, s3;
	s6 =	simm.s32 @!p1 $0x1082;
	[sflag:s4] =	ssyncset.s32 $0xFFFFF086  }
0x25: {  	[simem:s6], [sflag:s4] =	dma.local [hbm:s3], $0xF7A  }
0x26: {  	[smem:$0x3F9E] =	sst s1;
	(tag) =	ssettag s2;
	_ =	strace s9  }
0x27: {  	s1 =	sld [smem:$0x3FAE]  }
0x28: {  	s2 =	sld [smem:$0x3FAF]  }
0x29: {  	s4 =	sld [smem:$0x3FB1]  }
0x2a: {  	p0 =	seq.s32 s5, $0x0;
	s5 =	sld [smem:$0x3FB2]  }
0x2b: {  	s6 =	sld [smem:$0x3FB3]  }
0x2c: {  	s7 =	sld [smem:$0x3FB4]  }
0x2d: {  	s3 =	simm.s32 $0x108;
	s8 =	sld [smem:$0x3FB5]  }
0x2e: {  	s3 =	simm.s32 @!p0 $0x1082;
	s9 =	sld [smem:$0x3FB6]  }
0x2f: {  	lr =	sadd.s32 s0, s3;
	s0 =	sld [smem:$0x3FAD]  }
0x30: {  	s3 =	sld [smem:$0x3FB0]  }
0x31: {  	[smem:$0x3FB9] =	sst s10  }
0x32: {  	s10 =	sld [smem:$0x3FB7];
	_ =	sdelay $0x3  }
0x33: {  	p0 =	seq.s32 s10, $0x1;
	s10 =	sld [smem:$0x3FB9];
	_ =	sdelay $0x3  }
0x34: {  	[smem:$0x3FB9] =	sst s10  }
0x35: {  	s10 =	sld [smem:$0x3FB8];
	_ =	sdelay $0x3  }
0x36: {  	p1 =	seq.s32 s10, $0x1;
	s10 =	sld [smem:$0x3FB9];
	_ =	sdelay $0x3  }
0x37: {  	[smem:$0x3FB9] =	sst s10  }
0x38: {  	s10 =	sld [smem:$0x3FBA]  }
0x39: {  	_ = 	snop;
	(pc) =	sbr.ind lr, $3  }
0x3a: {  	_ = 	snop  }
0x3b: {  	_ = 	snop  }
0x3c: {  	p2 =	seq.s32 s10, $0x1;
	s10 =	sld [smem:$0x3FB9]  }
0x3d: {  	_ =	shalt  }
0x3e: {  	_ =	shalt  }
0x3f: {  	_ =	shalt  }
0x40: {  	_ =	shalt  }
0x41: {  	_ =	shalt  }
0x42: {  	_ =	shalt  }
0x43: {  	_ =	shalt  }
0x44: {  	_ =	shalt  }
0x45: {  	_ =	shalt  }
0x46: {  	_ =	shalt  }
0x47: {  	_ =	shalt  }
0x48: {  	_ =	shalt  }
0x49: {  	_ =	shalt  }
0x4a: {  	_ =	shalt  }
0x4b: {  	_ =	shalt  }
0x4c: {  	_ =	shalt  }
0x4d: {  	_ =	shalt  }
0x4e: {  	_ =	shalt  }
0x4f: {  	_ =	shalt  }
0x50: {  	_ =	shalt  }
0x51: {  	_ =	shalt  }
0x52: {  	_ =	shalt  }
0x53: {  	_ =	shalt  }
0x54: {  	_ =	shalt  }
0x55: {  	_ =	shalt  }
0x56: {  	_ =	shalt  }
0x57: {  	_ =	shalt  }
0x58: {  	_ =	shalt  }
0x59: {  	_ =	shalt  }
0x5a: {  	_ =	shalt  }
0x5b: {  	_ =	shalt  }
0x5c: {  	_ =	shalt  }
0x5d: {  	_ =	shalt  }
0x5e: {  	_ =	shalt  }
0x5f: {  	_ =	shalt  }
0x60: {  	_ =	shalt  }
0x61: {  	_ =	shalt  }
0x62: {  	_ =	shalt  }
0x63: {  	_ =	shalt  }
0x64: {  	_ =	shalt  }
0x65: {  	_ =	shalt  }
0x66: {  	_ =	shalt  }
0x67: {  	_ =	shalt  }
0x68: {  	_ =	shalt  }
0x69: {  	_ =	shalt  }
0x6a: {  	_ =	shalt  }
0x6b: {  	_ =	shalt  }
0x6c: {  	_ =	shalt  }
0x6d: {  	_ =	shalt  }
0x6e: {  	_ =	shalt  }
0x6f: {  	_ =	shalt  }
0x70: {  	_ =	shalt  }
0x71: {  	_ =	shalt  }
0x72: {  	_ =	shalt  }
0x73: {  	_ =	shalt  }
0x74: {  	_ =	shalt  }
0x75: {  	_ =	shalt  }
0x76: {  	_ =	shalt  }
0x77: {  	_ =	shalt  }
0x78: {  	_ =	shalt  }
0x79: {  	_ =	shalt  }
0x7a: {  	_ =	shalt  }
0x7b: {  	_ =	shalt  }
0x7c: {  	_ =	shalt  }
0x7d: {  	_ =	shalt  }
0x7e: {  	_ =	shalt  }
0x7f: {  	_ =	shalt  }
0x80: {  	_ =	shalt  }
0x81: {  	_ =	shalt  }
0x82: {  	_ =	shalt  }
0x83: {  	_ =	shalt  }
0x84: {  	_ =	shalt  }
0x85: {  	_ =	shalt  }
0x86: {  	_ =	shalt  }
0x87: {  	_ =	shalt  }
.Lfunc_end0:
.L_simem_size_0:
called_computation_lowered:
.L_overlay_start_0:
0x88: {  	s2 =	sld [smem:$0x3FD9]  }
0x89: {  	s3 =	sld [smem:$0x3FFE];
	_ =	sdelay $0x1  }
0x8a: {  	s1 =	srdreg.scid  }
0x8b: {  	s0 =	sand.u32 $0x1, s1  }
0x8c: {  	s17 =	sshll.u32 s0, $0xA;
	s2 =	sadd.s32 s3, s2  }
0x8d: {  	s2 =	sadd.s32 s2, s17  }
0x8e: {  	[smem:$0x3FC5] =	sst s2  }
0x8f: {  	_ = 	snop  }
0x90: {  	s2 =	sld [smem:$0x3FC8]  }
0x91: {  	s18 =	sld [smem:$0x3FC7]  }
0x92: {  	s4 =	sld [smem:$0x3FD0];
	(tm) =	ssettm $0x1  }
0x93: {  	s5 =	sld [smem:$0x3FFB];
	_ =	sdelay $0x3  }
0x94: {  	_ =	strace s5  }
0x95: {  	s5 =	sld [smem:$0x3FFC];
	_ =	sdelay $0x3  }
0x96: {  	_ =	strace s5  }
0x97: {  	s5 =	sld [smem:$0x3FFD];
	_ =	sdelay $0x3  }
0x98: {  	_ =	strace s5  }
0x99: {  	_ =	strace $0x8FFFFFFF  }
0x9a: {  	s19 =	sld [smem:$0x3FDB];
	_ =	sdelay $0x1  }
0x9b: {  	s6 =	simm.s32 $_scs_section_size  }
0x9c: {  	s7 =	simm.s32 $_size__tile_overlayer_lowered;
	s8 =	simm.s32 $_tile_overlayer_lowered  }
0x9d: {  	s22 =	simm.s32 $0x1BFF;
	s21 =	sshll.u32 s8, $0x1;
	s5 =	sadd.s32 s6, s19  }
0x9e: {  	s9 =	simm.s32 $0x0;
	s20 =	sshll.u32 s7, $0x1;
	s7 =	sadd.s32 s21, s5  }
0x9f: {  	[timem:s9], [sflag:s22] =	dma.local [hbm:s7], s20  }
0xa0: {  	_ =	swait.ge [sflag:s22], s20  }
0xa1: {  	s6 =	ssub.s32 $0x0, s20;
	[sflag:s22] =	ssyncset.done $0x0  }
0xa2: {  	[sflag:s22] =	ssyncadd.s32 s6;
	_ =	sdelay $0x1  }
0xa3: {  	s23 =	simm.s32 $0x1B8B  }
0xa4: {  	_ =	swait.ge [sflag:s23], $0x1  }
0xa5: {  	[sflag:s23] =	ssyncset.done $0x0  }
0xa6: {  	s25 =	simm.s32 $0x1B8E;
	s24 =	sld [smem:$0x3FFE];
	[sflag:s23] =	ssyncadd.s32 $0xFFFFFFFF  }
0xa7: {  	s26 =	simm.s32 $execute0_lowered;
	[smem:$0x3FD2] =	sst s25  }
0xa8: {  	s7 =	sshll.u32 s26, $0x1;
	_ =	strace $0x80000046;
	[dreg:$0x1] =	wrdreg $0xFFFFFFFF  }
0xa9: {  	s28 =	simm.s32 $_size_execute0_lowered;
	s5 =	sadd.s32 s5, s7;
	[dreg:$0x0] =	wrdreg $0x0  }
0xaa: {  	s7 =	sshll.u32 s28, $0x1;
	[dreg:$0x2] =	wrdreg s5  }
0xab: {  	[dreg:$0x3] =	wrdreg s7  }
0xac: {  	[dreg:$0x4] =	wrdreg $0xC0  }
0xad: {  	_ =	task [dreg:s9], $0x5FFFF  }
0xae: {  	[dreg:$0x1] =	wrdreg $0xFFFFFFFF  }
0xaf: {  	[dreg:$0x0] =	wrdreg $0x60  }
0xb0: {  	[dreg:$0x2] =	wrdreg s2  }
0xb1: {  	[dreg:$0x3] =	wrdreg s18  }
0xb2: {  	[dreg:$0x4] =	wrdreg s4  }
0xb3: {  	[dreg:$0x5] =	wrdreg s24  }
0xb4: {  	[dreg:$0x6] =	wrdreg $0x9  }
0xb5: {  	_ =	task.clear_ibuf [dreg:s9], $0x7FFFF;
	_ =	strace $0x90000046  }
0xb6: {  	s29 =	simm.s32 $0x9;
	_ =	strace $0x80000048  }
0xb7: {  	_ =	swait.ge [sflag:s29], $0x1  }
0xb8: {  	[sflag:s29] =	ssyncadd.s32 $0xFFFFFFFF  }
0xb9: {  	_ =	strace $0x90000048  }
0xba: {  	_ =	sfence  }
0xbb: {  	s30 =	sld [smem:$0x0];
	_ =	sdelay $0x2  }
0xbc: {  	s31 =	sshll.u32 s1, $0xD;
	s1 =	sshrl.u32 s1, $0x2  }
0xbd: {  	s3 =	sand.u32 $0x4000, s31;
	s1 =	sadd.s32 s1, s30  }
0xbe: {  	s0 =	sor.u32 s3, s0;
	s1 =	sshll.u32 s1, $0x11  }
0xbf: {  	s0 =	sor.u32 s1, s0  }
0xc0: {  	s0 =	sadd.s32 $0x8F2B, s0  }
0xc1: {  	[sflag:s0] =	ssyncadd.remote.s32 $0x1  }
0xc2: {  	_ =	sfence.sel $0xFFFF  }
0xc3: {  	[dreg:$0x0] =	wrdreg $0xFFFFFFFF;
	(pc) =	sbr.abs _section_cstart, $3  }
0xc4: {  	[dreg:$0x1] =	wrdreg $0xFFFFFFFF  }
0xc5: {  	_ =	task.clear_ibuf [dreg:s9], $0x2FFFF;
	_ =	strace $0x9FFFFFFF  }
0xc6: {  	(tm) =	ssettm $0x7FFFFFFF  }
0xc7: {  	_ =	shalt  }
tec
execute0_lowered:
.L_overlay_start_1:
0x0: {  	(tag) =	ssettag $0x1  }
0x1: {  	s4 =	rddreg [dreg:$0x0]  }
0x2: {  	s6 =	rddreg [dreg:$0x1]  }
0x3: {  	s8 =	rddreg [dreg:$0x2]  }
0x4: {  	s3 =	rddreg [dreg:$0x3]  }
0x5: {  	s0 =	rddreg [dreg:$0x4];
	s2 =	simm.s32 $0x0  }
0x6: {  	s5 =	srdreg.scid;
	s1 =	stileid.u32;
	s15 =	simm.s32 $0x600  }
0x7: {  	s16 =	simm.s32 $0x1;
	s17 =	simm.s32 $0x800;
	s18 =	simm.s32 $0xC00  }
0x8: {  	s19 =	simm.s32 $0x1000;
	s20 =	simm.s32 $0x1400;
	s21 =	simm.s32 $0x2  }
0x9: {  	vm0 =	vcmask $0xF0C;
	vm1 =	vcmask $0x704;
	s22 =	simm.s32 $0x0;
	[smem:$0x7FF] =	sst s2;
	s5 =	sand.u32 $0x1, s5  }
0xa: {  	s7 =	sshll.u32 s1, $0x9;
	s10 =	sadd.s32 $0xA00, s3;
	s9 =	sshrl.u32 s1, $0x1;
	vm0 =	vmor vm1, vm0;
	vm1 =	vcmask $0x1714  }
0xb: {  	_ =	strace $0x80000047;
	s25 =	sshll.u32 s5, $0x8;
	s7 =	sand.u32 $0x200, s7;
	vm0 =	vmor vm0, vm1;
	vm1 =	vcmask $0x1F1C  }
0xc: {  	s5 =	ssub.s32 $0x2, s5;
	s11 =	sshll.u32 s9, $0xC;
	s7 =	sor.u32 s25, s7;
	vm0 =	vmor vm0, vm1;
	vm1 =	vcmask $0x2724  }
0xd: {  	vm2 =	vcmask $0x300;
	s9 =	sshll.u32 s9, $0xD;
	s26 =	sshrl.u32 s5, $0x1;
	s12 =	sor.u32 $0x80, s7;
	vm0 =	vmor vm0, vm1;
	vm1 =	vcmask $0xB08  }
0xe: {  	vm3 =	vcmask $0x2F2C;
	s13 =	ssub.s32 s5, s26;
	s28 =	sor.u32 s11, s7;
	s7 =	sor.u32 s9, s7;
	vm1 =	vmor vm2, vm1;
	vm2 =	vcmask $0x1310  }
0xf: {  	v0 =	vlaneseq.u32;
	s29 =	sor.u32 s11, s12;
	s30 =	sshrl.u32 s28, $0x3;
	s31 =	sshrl.u32 s7, $0x3;
	vm1 =	vmor vm1, vm2;
	vm2 =	vcmask $0x1B18  }
0x10: {  	s9 =	sor.u32 s9, s12;
	vm0 =	vmor vm0, vm3;
	s11 =	smax.u32 s13, $0x1;
	s13 =	simm.s32 $0x400;
	vm1 =	vmor vm1, vm2;
	vm2 =	vcmask $0x2320  }
0x11: {  	vm3 =	vcmask $0x3734;
	s14 =	sshrl.u32 s29, $0x3;
	s3 =	sadd.s32 s4, s30;
	s5 =	sadd.s32 s6, s30;
	vm1 =	vmor vm1, vm2;
	vm2 =	vcmask $0x2B28  }
0x12: {  	s7 =	sadd.s32 s8, s31;
	s12 =	sshrl.u32 s9, $0x3;
	s9 =	sadd.s32 s10, s31;
	vm0 =	vmor vm0, vm3;
	vm1 =	vmor vm1, vm2;
	vm2 =	vcmask $0x3330  }
0x13: {  	vm3 =	vcmask $0x3F3C;
	s4 =	sadd.s32 s4, s14;
	s6 =	sadd.s32 s6, s14;
	s8 =	sadd.s32 s8, s12;
	vm1 =	vmor vm1, vm2;
	vm2 =	vcmask $0x3B38  }
0x14: {  	v1 =	vimm.s32 $0x0;
	s10 =	sadd.s32 s10, s12;
	s12 =	simm.s32 $0x80;
	s14 =	simm.s32 $0x200;
	vm0 =	vmor vm0, vm3;
	vm1 =	vmor vm1, vm2  }
.LBB2_1:
0x15: {  	[tilespmem:s2], [sflag:$0x1] =	stream.strided.gather [hbm4b:s3+s12], $0x200, s13, s12, $0x38;
	[tilespmem:$0x1800] =	vst v63  }
0x16: {  	_ = 	snop  }
0x17: {  	[tilespmem:s14], [sflag:$0x1] =	stream.strided.gather [hbm4b:s4+s12], $0x200, s13, s12, $0x38;
	[tilespmem:$0x1800] =	vst v63  }
0x18: {  	_ = 	snop  }
0x19: {  	[tilespmem:s13], [sflag:$0x1] =	stream.strided.gather [hbm4b:s5+s12], $0x200, s13, s12, $0x38;
	[tilespmem:$0x1800] =	vst v63  }
0x1a: {  	_ = 	snop  }
0x1b: {  	[tilespmem:s15], [sflag:$0x1] =	stream.strided.gather [hbm4b:s6+s12], $0x200, s13, s12, $0x38;
	[tilespmem:$0x1800] =	vst v63  }
0x1c: {  	_ =	swait.ge [sflag:s16], $0x200  }
0x1d: {  	[sflag:s16] =	ssyncset.done $0x0  }
0x1e: {  	[sflag:s16] =	ssyncadd.s32 $0xFFFFFE00  }
0x1f: {  	v2 =	vmov s2;
	_ =	swait.ge [sflag:s16], $0x200  }
0x20: {  	vm2 =	veq.s32 v2, v0;
	[sflag:s16] =	ssyncset.done $0x0  }
0x21: {  	v2 =	vor.u32 s2, v0;
	vm2 =	vmand vm2, vm0;
	[sflag:s16] =	ssyncadd.s32 $0xFFFFFE00  }
0x22: {  	v2 =	vshrl.u32 v2, $0x1;
	v3 =	vsel vm2, $0xFFFFFFFF, v1;
	_ =	swait.ge [sflag:s16], $0x200  }
0x23: {  	v2 =	vadd.s32 v3, v2;
	[sflag:s16] =	ssyncset.done $0x0  }
0x24: {  	[sflag:s16] =	ssyncadd.s32 $0xFFFFFE00  }
0x25: {  	_ =	swait.ge [sflag:s16], $0x200  }
0x26: {  	[sflag:s16] =	ssyncset.done $0x0  }
0x27: {  	[sflag:s16] =	ssyncadd.s32 $0xFFFFFE00  }
0x28: {  	s23 =	simm.s32 $0x10;
	v2 =	vld.idx.msk [tilespmem:v2+s2+$0x0], $0xffff  }
0x29: {  	v3 =	vmov s23  }
0x2a: {  	vm2 =	veq.s32 v3, v0  }
0x2b: {  	v3 =	vor.u32 s23, v0;
	vm2 =	vmand vm2, vm0  }
0x2c: {  	v3 =	vshrl.u32 v3, $0x1;
	v4 =	vsel vm2, $0xFFFFFFFF, v1  }
0x2d: {  	v5 =	vnsel vm1, $0x0, v2;
	v2 =	vadd.s32 v4, v3;
	_ =	sdelay $0x2  }
0x2e: {  	s23 =	simm.s32 $0x20  }
0x2f: {  	s25 =	simm.s32 $0x30;
	s24 =	simm.s32 $0x800;
	v3 =	vmov s23;
	[tilespmem:s17+$0x0] =	vst v5  }
.LBB2_2:
0x30: {  	p0 =	sne.s32 s25, $0x3F0;
	vm2 =	veq.s32 v3, v0;
	v3 =	vld.idx.msk [tilespmem:v2+s2+$0x0], $0xffff  }
0x31: {  	v2 =	vor.u32 s23, v0;
	s23 =	smov.u32 s25;
	vm2 =	vmand vm2, vm0  }
0x32: {  	v2 =	vshrl.u32 v2, $0x1;
	v4 =	vsel vm2, $0xFFFFFFFF, v1  }
.Ltmp0:
0x33: {  	v2 =	vadd.s32 v4, v2;
	(pc) =	sbr.rel @p0 .LBB2_2-.Ltmp0, $3  }
0x34: {  	_ =	sdelay $0x1  }
0x35: {  	s24 =	sadd.s32 $0x10, s24;
	v4 =	vnsel vm1, $0x0, v3  }
0x36: {  	s25 =	sadd.s32 $0x10, s25;
	v3 =	vmov s23;
	[tilespmem:s24+$0x0] =	vst v4  }
0x37: {  	_ =	sdelay $0x2  }
0x38: {  	vm2 =	veq.s32 v3, v0  }
0x39: {  	v2 =	vld.idx.msk [tilespmem:v2+s2+$0x0], $0xffff;
	v3 =	vor.u32 s23, v0;
	vm2 =	vmand vm2, vm0  }
0x3a: {  	v3 =	vshrl.u32 v3, $0x1;
	v4 =	vsel vm2, $0xFFFFFFFF, v1  }
0x3b: {  	v3 =	vadd.s32 v4, v3;
	_ =	sdelay $0x2  }
0x3c: {  	s29 =	sadd.s32 $0x10, s24;
	s30 =	simm.s32 $0x0;
	v2 =	vnsel vm1, $0x0, v2  }
0x3d: {  	[tilespmem:s29+$0x0] =	vst v2;
	v2 =	vmov s30  }
0x3e: {  	vm2 =	veq.s32 v2, v0;
	v3 =	vld.idx.msk [tilespmem:v3+s2+$0x0], $0xffff  }
0x3f: {  	v2 =	vor.u32 s30, v0;
	vm2 =	vmand vm2, vm0  }
0x40: {  	v2 =	vshrl.u32 v2, $0x1;
	v4 =	vsel vm2, $0xFFFFFFFF, v1  }
0x41: {  	v2 =	vadd.s32 v4, v2;
	_ =	sdelay $0x1  }
0x42: {  	s23 =	sadd.s32 $0x10, s29;
	v3 =	vnsel vm1, $0x0, v3  }
0x43: {  	[tilespmem:s23+$0x0] =	vst v3  }
0x44: {  	[hbm4b:s7+s12] =	stream.strided.scatter [tilespmem:s17], [sflag:$0x2], $0x400, s13, s12, $0x38;
	[tilespmem:$0x1800] =	vst v63  }
0x45: {  	s31 =	simm.s32 $0x10;
	v2 =	vld.idx.msk [tilespmem:v2+s14+$0x0], $0xffff  }
0x46: {  	v3 =	vmov s31  }
0x47: {  	vm2 =	veq.s32 v3, v0  }
0x48: {  	v3 =	vor.u32 s31, v0;
	vm2 =	vmand vm2, vm0  }
0x49: {  	v3 =	vshrl.u32 v3, $0x1;
	v4 =	vsel vm2, $0xFFFFFFFF, v1  }
0x4a: {  	v5 =	vnsel vm1, $0x0, v2;
	v2 =	vadd.s32 v4, v3;
	_ =	sdelay $0x2  }
0x4b: {  	s24 =	simm.s32 $0x20;
	s23 =	simm.s32 $0xC00  }
0x4c: {  	s25 =	simm.s32 $0x30;
	v3 =	vmov s24;
	[tilespmem:s23+$0x0] =	vst v5  }
.LBB2_4:
0x4d: {  	p0 =	sne.s32 s25, $0x3F0;
	vm2 =	veq.s32 v3, v0;
	v3 =	vld.idx.msk [tilespmem:v2+s14+$0x0], $0xffff  }
0x4e: {  	v2 =	vor.u32 s24, v0;
	s24 =	smov.u32 s25;
	vm2 =	vmand vm2, vm0  }
0x4f: {  	v2 =	vshrl.u32 v2, $0x1;
	v4 =	vsel vm2, $0xFFFFFFFF, v1  }
.Ltmp1:
0x50: {  	v2 =	vadd.s32 v4, v2;
	(pc) =	sbr.rel @p0 .LBB2_4-.Ltmp1, $3  }
0x51: {  	_ =	sdelay $0x1  }
0x52: {  	s23 =	sadd.s32 $0x10, s23;
	v4 =	vnsel vm1, $0x0, v3  }
0x53: {  	s25 =	sadd.s32 $0x10, s25;
	v3 =	vmov s24;
	[tilespmem:s23+$0x0] =	vst v4  }
0x54: {  	_ =	sdelay $0x2  }
0x55: {  	vm2 =	veq.s32 v3, v0  }
0x56: {  	v2 =	vld.idx.msk [tilespmem:v2+s14+$0x0], $0xffff;
	v3 =	vor.u32 s24, v0;
	vm2 =	vmand vm2, vm0  }
0x57: {  	v3 =	vshrl.u32 v3, $0x1;
	v4 =	vsel vm2, $0xFFFFFFFF, v1  }
0x58: {  	v3 =	vadd.s32 v4, v3;
	_ =	sdelay $0x2  }
0x59: {  	s23 =	sadd.s32 $0x10, s23;
	s30 =	simm.s32 $0x0;
	v2 =	vnsel vm1, $0x0, v2  }
0x5a: {  	[tilespmem:s23+$0x0] =	vst v2;
	v2 =	vmov s30  }
0x5b: {  	vm2 =	veq.s32 v2, v0;
	v3 =	vld.idx.msk [tilespmem:v3+s14+$0x0], $0xffff  }
0x5c: {  	v2 =	vor.u32 s30, v0;
	vm2 =	vmand vm2, vm0  }
0x5d: {  	v2 =	vshrl.u32 v2, $0x1;
	v4 =	vsel vm2, $0xFFFFFFFF, v1  }
0x5e: {  	v2 =	vadd.s32 v4, v2;
	_ =	sdelay $0x1  }
0x5f: {  	s23 =	sadd.s32 $0x10, s23;
	v3 =	vnsel vm1, $0x0, v3  }
0x60: {  	[tilespmem:s23+$0x0] =	vst v3  }
0x61: {  	[hbm4b:s8+s12] =	stream.strided.scatter [tilespmem:s18], [sflag:$0x2], $0x400, s13, s12, $0x38;
	[tilespmem:$0x1800] =	vst v63  }
0x62: {  	s31 =	simm.s32 $0x10;
	v2 =	vld.idx.msk [tilespmem:v2+s13+$0x0], $0xffff  }
0x63: {  	v3 =	vmov s31  }
0x64: {  	vm2 =	veq.s32 v3, v0  }
0x65: {  	v3 =	vor.u32 s31, v0;
	vm2 =	vmand vm2, vm0  }
0x66: {  	v3 =	vshrl.u32 v3, $0x1;
	v4 =	vsel vm2, $0xFFFFFFFF, v1  }
0x67: {  	v5 =	vsel vm1, $0x0, v2;
	v2 =	vadd.s32 v4, v3;
	_ =	sdelay $0x2  }
0x68: {  	s24 =	simm.s32 $0x20;
	s23 =	simm.s32 $0x1000  }
0x69: {  	s25 =	simm.s32 $0x30;
	v3 =	vmov s24;
	[tilespmem:s23+$0x0] =	vst v5  }
.LBB2_6:
0x6a: {  	p0 =	sne.s32 s25, $0x3F0;
	vm2 =	veq.s32 v3, v0;
	v3 =	vld.idx.msk [tilespmem:v2+s13+$0x0], $0xffff  }
0x6b: {  	v2 =	vor.u32 s24, v0;
	s24 =	smov.u32 s25;
	vm2 =	vmand vm2, vm0  }
0x6c: {  	v2 =	vshrl.u32 v2, $0x1;
	v4 =	vsel vm2, $0xFFFFFFFF, v1  }
.Ltmp2:
0x6d: {  	v2 =	vadd.s32 v4, v2;
	(pc) =	sbr.rel @p0 .LBB2_6-.Ltmp2, $3  }
0x6e: {  	_ =	sdelay $0x1  }
0x6f: {  	s23 =	sadd.s32 $0x10, s23;
	v4 =	vsel vm1, $0x0, v3  }
0x70: {  	s25 =	sadd.s32 $0x10, s25;
	v3 =	vmov s24;
	[tilespmem:s23+$0x0] =	vst v4  }
0x71: {  	_ =	sdelay $0x2  }
0x72: {  	vm2 =	veq.s32 v3, v0  }
0x73: {  	v2 =	vld.idx.msk [tilespmem:v2+s13+$0x0], $0xffff;
	v3 =	vor.u32 s24, v0;
	vm2 =	vmand vm2, vm0  }
0x74: {  	v3 =	vshrl.u32 v3, $0x1;
	v4 =	vsel vm2, $0xFFFFFFFF, v1  }
0x75: {  	v3 =	vadd.s32 v4, v3;
	_ =	sdelay $0x2  }
0x76: {  	s23 =	sadd.s32 $0x10, s23;
	s30 =	simm.s32 $0x0;
	v2 =	vsel vm1, $0x0, v2  }
0x77: {  	[tilespmem:s23+$0x0] =	vst v2;
	v2 =	vmov s30  }
0x78: {  	vm2 =	veq.s32 v2, v0;
	v3 =	vld.idx.msk [tilespmem:v3+s13+$0x0], $0xffff  }
0x79: {  	v2 =	vor.u32 s30, v0;
	vm2 =	vmand vm2, vm0  }
0x7a: {  	v2 =	vshrl.u32 v2, $0x1;
	v4 =	vsel vm2, $0xFFFFFFFF, v1  }
0x7b: {  	v2 =	vadd.s32 v4, v2;
	_ =	sdelay $0x1  }
0x7c: {  	s23 =	sadd.s32 $0x10, s23;
	v3 =	vsel vm1, $0x0, v3  }
0x7d: {  	[tilespmem:s23+$0x0] =	vst v3  }
0x7e: {  	[hbm4b:s9+s12] =	stream.strided.scatter [tilespmem:s19], [sflag:$0x2], $0x400, s13, s12, $0x38;
	[tilespmem:$0x1800] =	vst v63  }
0x7f: {  	s31 =	simm.s32 $0x10;
	v2 =	vld.idx.msk [tilespmem:v2+s15+$0x0], $0xffff  }
0x80: {  	v3 =	vmov s31  }
0x81: {  	vm2 =	veq.s32 v3, v0  }
0x82: {  	v3 =	vor.u32 s31, v0;
	vm2 =	vmand vm2, vm0  }
0x83: {  	v3 =	vshrl.u32 v3, $0x1;
	v4 =	vsel vm2, $0xFFFFFFFF, v1  }
0x84: {  	v5 =	vsel vm1, $0x0, v2;
	v2 =	vadd.s32 v4, v3;
	_ =	sdelay $0x2  }
0x85: {  	s24 =	simm.s32 $0x20;
	s23 =	simm.s32 $0x1400  }
0x86: {  	s25 =	simm.s32 $0x30;
	v3 =	vmov s24;
	[tilespmem:s23+$0x0] =	vst v5  }
.LBB2_8:
0x87: {  	p0 =	sne.s32 s25, $0x3F0;
	vm2 =	veq.s32 v3, v0;
	v3 =	vld.idx.msk [tilespmem:v2+s15+$0x0], $0xffff  }
0x88: {  	v2 =	vor.u32 s24, v0;
	s24 =	smov.u32 s25;
	vm2 =	vmand vm2, vm0  }
0x89: {  	v2 =	vshrl.u32 v2, $0x1;
	v4 =	vsel vm2, $0xFFFFFFFF, v1  }
.Ltmp3:
0x8a: {  	v2 =	vadd.s32 v4, v2;
	(pc) =	sbr.rel @p0 .LBB2_8-.Ltmp3, $3  }
0x8b: {  	_ =	sdelay $0x1  }
0x8c: {  	s23 =	sadd.s32 $0x10, s23;
	v4 =	vsel vm1, $0x0, v3  }
0x8d: {  	s25 =	sadd.s32 $0x10, s25;
	v3 =	vmov s24;
	[tilespmem:s23+$0x0] =	vst v4  }
0x8e: {  	_ =	sdelay $0x2  }
0x8f: {  	vm2 =	veq.s32 v3, v0  }
0x90: {  	v2 =	vld.idx.msk [tilespmem:v2+s15+$0x0], $0xffff;
	v3 =	vor.u32 s24, v0;
	vm2 =	vmand vm2, vm0  }
0x91: {  	v3 =	vshrl.u32 v3, $0x1;
	v4 =	vsel vm2, $0xFFFFFFFF, v1  }
0x92: {  	v3 =	vadd.s32 v4, v3;
	_ =	sdelay $0x2  }
0x93: {  	s23 =	sadd.s32 $0x10, s23;
	v2 =	vsel vm1, $0x0, v2  }
0x94: {  	[tilespmem:s23+$0x0] =	vst v2  }
0x95: {  	v2 =	vld.idx.msk [tilespmem:v3+s15+$0x0], $0xffff;
	_ =	sdelay $0x4  }
0x96: {  	s23 =	sadd.s32 $0x10, s23;
	v2 =	vsel vm1, $0x0, v2  }
0x97: {  	[tilespmem:s23+$0x0] =	vst v2  }
0x98: {  	[hbm4b:s10+s12] =	stream.strided.scatter [tilespmem:s20], [sflag:$0x2], $0x400, s13, s12, $0x38;
	[tilespmem:$0x1800] =	vst v63  }
0x99: {  	_ =	swait.ge [sflag:s21], $0x400  }
0x9a: {  	[sflag:s21] =	ssyncset.done $0x0  }
0x9b: {  	[sflag:s21] =	ssyncadd.s32 $0xFFFFFC00  }
0x9c: {  	_ =	swait.ge [sflag:s21], $0x400  }
0x9d: {  	[sflag:s21] =	ssyncset.done $0x0  }
0x9e: {  	s22 =	sadd.s32 $0x1, s22;
	[sflag:s21] =	ssyncadd.s32 $0xFFFFFC00  }
0x9f: {  	p0 =	sne.s32 s22, s11;
	_ =	swait.ge [sflag:s21], $0x400  }
.Ltmp4:
0xa0: {  	[sflag:s21] =	ssyncset.done $0x0;
	(pc) =	sbr.rel @p0 .LBB2_1-.Ltmp4, $4  }
0xa1: {  	[sflag:s21] =	ssyncadd.s32 $0xFFFFFC00  }
0xa2: {  	_ =	swait.ge [sflag:s21], $0x400  }
0xa3: {  	[sflag:s21] =	ssyncset.done $0x0  }
0xa4: {  	[sflag:s21] =	ssyncadd.s32 $0xFFFFFC00  }
0xa5: {  	_ =	sfence.sel $0x180000  }
0xa6: {  	[bflag:$0x0] =	sbarrier.arrive $0xFFFF  }
0xa7: {  	p0 =	sne.s32 s1, $0x0;
	_ =	strace $0x90000047  }
0xa8: {  	s0 =	sadd.s32 @!p0 $0x100000, s0;
	[bflag:$0x2] =	sbarrier.arrive $0xFFFF  }
0xa9: {  	[sflag:s0] =	ssyncadd.tile.s32 @!p0 $0x1;
	_ =	shalt  }
.Lfunc_end2:
_tile_overlayer_lowered:
.L_overlay_start_2:
0xaa: {  	(tag) =	ssettag $0x2  }
0xab: {  	s0 =	rddreg [dreg:$0x0];
	s2 =	stileid.u32  }
0xac: {  	s1 =	rddreg [dreg:$0x1];
	p0 =	sne.s32 s2, $0x0  }
0xad: {  	s3 =	rddreg [dreg:$0x2];
	[bflag:$0x3] =	sbarrier.arrive $0xFFFF;
	s2 =	simm.s32 @!p0 $0x1C03  }
0xae: {  	[timem:s3], [sflag:s2] =	dma.local @!p0 [hbm:s0], s1  }
0xaf: {  	s0 =	simm.s32 @!p0 $0x3  }
0xb0: {  	_ =	swait.ge @!p0 [sflag:s0], s1  }
0xb1: {  	s1 =	ssub.s32 @!p0 $0x0, s1;
	[sflag:s0] =	ssyncset.done @!p0 $0x0  }
0xb2: {  	[sflag:s0] =	ssyncadd.s32 @!p0 s1  }
0xb3: {  	[bflag:$0x3] =	sbarrier.arrive $0xFFFF  }
0xb4: {  	_ =	shalt  }

</sc_bundles>
